<compile_context>
chip_gen: v7x
topology: tpu7x:2x2x1
jax: 0.10.2.dev20260603
libtpu: 0.0.44.dev20260713+nightly
codegen_flags: <defaults>
</compile_context>

<pallas_src>
import jax
import jax.numpy as jnp
from jax import lax
from jax.experimental import pallas as pl
from jax.experimental.pallas import tpu as pltpu
from jax.experimental.pallas import tpu_sc as plsc

import functools


def _make_sc_gather(B, V, D, max_idx):
    info = plsc.get_sparse_core_info()
    NC, NS, L = info.num_cores, info.num_subcores, info.num_lanes
    NW = NC * NS
    assert B % NW == 0 and D % L == 0
    b_per_w = B // NW
    CHUNK = 64
    n_chunks = b_per_w // CHUNK

    n_loaders = max(d for d in range(1, NS + 1)
                    if V % d == 0 and (V // d) % 8 == 0)
    rows_per_loader = V // n_loaders

    mesh = plsc.VectorSubcoreMesh(core_axis_name="c", subcore_axis_name="s")

    @functools.partial(
        pl.kernel,
        mesh=mesh,
        out_type=jax.ShapeDtypeStruct((B, D), jnp.float32),
        scratch_types=[
            pltpu.VMEM((b_per_w,), jnp.float32),
            pltpu.VMEM((b_per_w,), jnp.int32),
            pltpu.VMEM((b_per_w, D), jnp.float32),
            pltpu.VMEM_SHARED((V, D), jnp.float32),
            pltpu.SemaphoreType.DMA,
            pltpu.SemaphoreType.DMA,
            pltpu.SemaphoreType.DMA,
            pltpu.SemaphoreType.DMA,
        ],
    )
    def gather_kernel(pe_hbm, vals_hbm, out_hbm, vals_v, idx_v, rows_v,
                      table_s, sem_t, sem_a, sem_b, sem_w):
        sid = lax.axis_index("s")
        wid = sid * NC + lax.axis_index("c")
        base = wid * b_per_w

        lbase = sid * rows_per_loader

        @pl.when(sid < n_loaders)
        def _start_table():
            pltpu.async_copy(
                pe_hbm.at[pl.ds(lbase, rows_per_loader)],
                table_s.at[pl.ds(lbase, rows_per_loader)],
                sem_t)

        pltpu.sync_copy(vals_hbm.at[pl.ds(base, b_per_w)], vals_v)

        def idx_body(i, carry):
            off = pl.multiple_of(i * L, L)
            v = vals_v[pl.ds(off, L)]
            idx = (v * 1000.0).astype(jnp.int32)
            idx_v[pl.ds(off, L)] = jnp.minimum(jnp.maximum(idx, 0), max_idx)
            return carry

        lax.fori_loop(0, b_per_w // L, idx_body, 0)

        @pl.when(sid < n_loaders)
        def _wait_table():
            pltpu.make_async_copy(
                pe_hbm.at[pl.ds(lbase, rows_per_loader)],
                table_s.at[pl.ds(lbase, rows_per_loader)],
                sem_t).wait()

        plsc.subcore_barrier()

        sems = (sem_a, sem_b)

        def gather_chunk(j):
            return pltpu.async_copy(
                table_s.at[idx_v.at[pl.ds(j * CHUNK, CHUNK)]],
                rows_v.at[pl.ds(j * CHUNK, CHUNK)],
                sems[j % 2],
            )

        g = gather_chunk(0)
        writes = []
        for j in range(n_chunks):
            g_next = gather_chunk(j + 1) if j + 1 < n_chunks else None
            g.wait()
            writes.append(pltpu.async_copy(
                rows_v.at[pl.ds(j * CHUNK, CHUNK)],
                out_hbm.at[pl.ds(base + j * CHUNK, CHUNK)],
                sem_w,
            ))
            g = g_next
        for w in writes:
            w.wait()

    return gather_kernel


def kernel(x, pe, dim_idx):
    vals = lax.dynamic_slice(
        x, (jnp.zeros((), jnp.int32), jnp.asarray(dim_idx, jnp.int32)),
        (x.shape[0], 1)).reshape(x.shape[0])
    B = x.shape[0]
    V, D = pe.shape
    fn = _make_sc_gather(B, V, D, V - 1)
    return fn(pe, vals)

# --- scband reference (transcript-rebuilt; emitter-appended) ---
"""Pipeline reference for scband-positional-encoding-16140487098756 (READ-ONLY COPY).

The authoritative reference and input builder live on the scoring server;
editing this copy changes nothing except your own understanding.
"""

import jax, jax.numpy as jnp
import numpy as np

D_MODEL = 128
MAX_LEN = 5000

def _build_pe(max_len, d_model):
    pe = np.zeros((max_len, d_model), dtype=np.float32)
    position = np.arange(0, max_len, dtype=np.float32)[:, None]
    div_term = np.exp(np.arange(0, d_model, 2, dtype=np.float32) * (-np.log(10000.0) / d_model))
    pe[:, 0::2] = np.sin(position * div_term)
    pe[:, 1::2] = np.cos(position * div_term)
    return jnp.asarray(pe)

def setup_inputs(seed: int = 0) -> dict:
    key = jax.random.key(seed)
    k1, _ = jax.random.split(key)
    x = jax.random.uniform(k1, (16384, 16), dtype=jnp.float32)
    pe = _build_pe(MAX_LEN, D_MODEL)
    return {"x": x, "pe": pe, "dim_idx": 3}

def reference(x, pe, dim_idx):
    values = x[:, dim_idx]
    scaled_values = jnp.clip((values * 1000.0).astype(jnp.int32), 0, pe.shape[0] - 1)
    encodings = jnp.take(pe, scaled_values, axis=0)
    return encodings

if __name__ == "__main__":
    import jax
    _d = setup_inputs()
    print(jax.jit(kernel)(*tuple(_d.values())))

</pallas_src>

<mosaic_0001>
#map = affine_map<(d0, d1) -> (0, 0)>
#map1 = affine_map<(d0, d1) -> (0)>
module attributes {stable_mosaic.version = 14 : i64} {
  func.func @gather_kernel(%arg0: i32, %arg1: i32, %arg2: memref<5000x128xf32, #tpu.memory_space<hbm>>, %arg3: memref<16384xf32, #tpu.memory_space<hbm>>, %arg4: memref<16384x128xf32, #tpu.memory_space<hbm>>, %arg5: memref<512xf32, #tpu.memory_space<vmem>>, %arg6: memref<512xi32, #tpu.memory_space<vmem>>, %arg7: memref<512x128xf32, #tpu.memory_space<vmem>>, %arg8: memref<5000x128xf32, #tpu.memory_space<vmem_shared>>, %arg9: memref<!tpu.dma_semaphore, #tpu.memory_space<semaphore_mem>>, %arg10: memref<!tpu.dma_semaphore, #tpu.memory_space<semaphore_mem>>, %arg11: memref<!tpu.dma_semaphore, #tpu.memory_space<semaphore_mem>>, %arg12: memref<!tpu.dma_semaphore, #tpu.memory_space<semaphore_mem>>) attributes {dimension_semantics = [#tpu.dimension_semantics<core_parallel>, #tpu.dimension_semantics<subcore_parallel>], iteration_bounds = array<i64: 2, 16>, scalar_prefetch = 0 : i64, scratch_operands = 8 : i64, tpu.core_type = #tpu.core_type<sc_vector_subcore>, window_params = [{transform_indices = #map}, {transform_indices = #map1}, {transform_indices = #map}]} {
    %mul3A = arith.constant 2 : i32
    %mul3A_0 = arith.muli %arg1, %mul3A : i32
    %add3A = arith.addi %mul3A_0, %arg0 : i32
    %mul3A_1 = arith.constant 512 : i32
    %mul3A_2 = arith.muli %add3A, %mul3A_1 : i32
    %mul3A_3 = arith.constant 1000 : i32
    %mul3A_4 = arith.muli %arg1, %mul3A_3 : i32
    %lt3A = arith.constant 5 : i32
    %lt3A_5 = arith.cmpi slt, %arg1, %lt3A : i32
    %convert_element_type3A = arith.extui %lt3A_5 : i1 to i32
    %cond3A = arith.constant 0 : i32
    %cond3A_6 = arith.cmpi ne, %convert_element_type3A, %cond3A : i32
    scf.if %cond3A_6 {
      %dma_start3A_319 = arith.constant 0 : i32
      %dma_start3A_320 = tpu.memref_slice %arg8[%mul3A_4, %dma_start3A_319] : memref<5000x128xf32, #tpu.memory_space<vmem_shared>> -> memref<1000x128xf32, #tpu.memory_space<vmem_shared>>
      %dma_start3A_321 = arith.constant 0 : i32
      %dma_start3A_322 = tpu.memref_slice %arg2[%mul3A_4, %dma_start3A_321] : memref<5000x128xf32, #tpu.memory_space<hbm>> -> memref<1000x128xf32, #tpu.memory_space<hbm>>
      tpu.enqueue_dma source(%dma_start3A_322 : memref<1000x128xf32, #tpu.memory_space<hbm>>) target(%dma_start3A_320 : memref<1000x128xf32, #tpu.memory_space<vmem_shared>>) target_semaphore(%arg9 : memref<!tpu.dma_semaphore, #tpu.memory_space<semaphore_mem>>)
    } else {
    }
    "tpu.region"() ({
      %run_scoped3A = tpu.sem_alloc : memref<!tpu.dma_semaphore, #tpu.memory_space<semaphore_mem>>
      %dma_start3A_319 = tpu.memref_slice %arg3[%mul3A_2] : memref<16384xf32, #tpu.memory_space<hbm>> -> memref<512xf32, #tpu.memory_space<hbm>>
      %dma_start3A_320 = tpu.memref_slice %arg3[%mul3A_2] : memref<16384xf32, #tpu.memory_space<hbm>> -> memref<512xf32, #tpu.memory_space<hbm>>
      tpu.enqueue_dma source(%dma_start3A_320 : memref<512xf32, #tpu.memory_space<hbm>>) target(%arg5 : memref<512xf32, #tpu.memory_space<vmem>>) target_semaphore(%run_scoped3A : memref<!tpu.dma_semaphore, #tpu.memory_space<semaphore_mem>>)
      %dma_wait3A_321 = tpu.memref_slice %arg3[%mul3A_2] : memref<16384xf32, #tpu.memory_space<hbm>> -> memref<512xf32, #tpu.memory_space<hbm>>
      %dma_wait3A_322 = tpu.memref_slice %arg3[%mul3A_2] : memref<16384xf32, #tpu.memory_space<hbm>> -> memref<512xf32, #tpu.memory_space<hbm>>
      tpu.wait_dma2 semaphore(%run_scoped3A : memref<!tpu.dma_semaphore, #tpu.memory_space<semaphore_mem>>) src(%dma_wait3A_322 : memref<512xf32, #tpu.memory_space<hbm>>) dst(%arg5 : memref<512xf32, #tpu.memory_space<vmem>>)
      tpu.yield
    }) : () -> ()
    %scan3A = arith.constant 0 : i32
    %scan3A_7 = arith.constant 0 : i32
    %scan3A_8 = arith.constant 32 : i32
    %scan3A_9 = arith.addi %scan3A_7, %scan3A_8 : i32
    %scan3A_10 = arith.constant 1 : i32
    scf.for %scan3A_319 = %scan3A_7 to %scan3A_9 step %scan3A_10  : i32 {
      %mul3A_320 = arith.constant 16 : i32
      %mul3A_321 = arith.muli %scan3A_319, %mul3A_320 : i32
      %multiple_of3A = tpu.assume_multiple %mul3A_321, 16 : i32
      %get3A = arith.index_cast %multiple_of3A : i32 to index
      %get3A_322 = tpu.vector_load %arg5[%get3A] {strides = array<i32>} : memref<512xf32, #tpu.memory_space<vmem>>, vector<16xf32>,
      %get3A_323 = vector.shape_cast %get3A_322 : vector<16xf32> to vector<16xf32>
      %mul3A_324 = arith.constant 1.000000e+03 : f32
      %mul3A_325 = vector.broadcast %mul3A_324 : f32 to vector<16xf32>
      %mul3A_326 = arith.mulf %get3A_323, %mul3A_325 : vector<16xf32>
      %convert_element_type3A_327 = arith.fptosi %mul3A_326 : vector<16xf32> to vector<16xi32>
      %max3A = arith.constant 0 : i32
      %max3A_328 = vector.broadcast %max3A : i32 to vector<16xi32>
      %max3A_329 = arith.maxsi %convert_element_type3A_327, %max3A_328 : vector<16xi32>
      %min3A = arith.constant 4999 : i32
      %min3A_330 = vector.broadcast %min3A : i32 to vector<16xi32>
      %min3A_331 = arith.minsi %max3A_329, %min3A_330 : vector<16xi32>
      %swap3A = arith.index_cast %multiple_of3A : i32 to index
      %swap3A_332 = tpu.vector_load %arg6[%swap3A] {strides = array<i32>} : memref<512xi32, #tpu.memory_space<vmem>>, vector<16xi32>,
      %swap3A_333 = vector.shape_cast %swap3A_332 : vector<16xi32> to vector<16xi32>
      %swap3A_334 = vector.shape_cast %min3A_331 : vector<16xi32> to vector<16xi32>
      tpu.vector_store %arg6[%swap3A], %swap3A_334 {strides = array<i32>} : memref<512xi32, #tpu.memory_space<vmem>>, vector<16xi32>,
    }
    %scan3A_11 = arith.constant 32 : i32
    %lt3A_12 = arith.constant 5 : i32
    %lt3A_13 = arith.cmpi slt, %arg1, %lt3A_12 : i32
    %convert_element_type3A_14 = arith.extui %lt3A_13 : i1 to i32
    %cond3A_15 = arith.constant 0 : i32
    %cond3A_16 = arith.cmpi ne, %convert_element_type3A_14, %cond3A_15 : i32
    scf.if %cond3A_16 {
      %dma_wait3A_319 = arith.constant 0 : i32
      %dma_wait3A_320 = tpu.memref_slice %arg8[%mul3A_4, %dma_wait3A_319] : memref<5000x128xf32, #tpu.memory_space<vmem_shared>> -> memref<1000x128xf32, #tpu.memory_space<vmem_shared>>
      %dma_wait3A_321 = arith.constant 0 : i32
      %dma_wait3A_322 = tpu.memref_slice %arg2[%mul3A_4, %dma_wait3A_321] : memref<5000x128xf32, #tpu.memory_space<hbm>> -> memref<1000x128xf32, #tpu.memory_space<hbm>>
      tpu.wait_dma2 semaphore(%arg9 : memref<!tpu.dma_semaphore, #tpu.memory_space<semaphore_mem>>) src(%dma_wait3A_322 : memref<1000x128xf32, #tpu.memory_space<hbm>>) dst(%dma_wait3A_320 : memref<1000x128xf32, #tpu.memory_space<vmem_shared>>)
    } else {
    }
    %barrier3A = arith.constant 0 : index
    tpu.barrier barrier_id(%barrier3A)
    %dma_start3A = arith.constant 0 : i32
    %dma_start3A_17 = arith.constant 0 : i32
    %dma_start3A_18 = tpu.memref_slice %arg7[%dma_start3A, %dma_start3A_17] : memref<512x128xf32, #tpu.memory_space<vmem>> -> memref<64x128xf32, #tpu.memory_space<vmem>>
    %dma_start3A_19 = arith.constant 0 : i32
    %dma_start3A_20 = tpu.memref_slice %arg6[%dma_start3A_19] : memref<512xi32, #tpu.memory_space<vmem>> -> memref<64xi32, #tpu.memory_space<vmem>>
    %dma_start3A_21 = arith.constant 0 : i32
    %dma_start3A_22 = arith.constant 0 : i32
    %dma_start3A_23 = tpu.memref_slice %arg8[%dma_start3A_21, %dma_start3A_22] : memref<5000x128xf32, #tpu.memory_space<vmem_shared>> -> memref<5000x128xf32, #tpu.memory_space<vmem_shared>>
    tpu.enqueue_indirect_dma source(%dma_start3A_23 : memref<5000x128xf32, #tpu.memory_space<vmem_shared>>) target(%dma_start3A_18 : memref<64x128xf32, #tpu.memory_space<vmem>>) offsets(%dma_start3A_20 : memref<64xi32, #tpu.memory_space<vmem>>) semaphore(%arg10 : memref<!tpu.dma_semaphore, #tpu.memory_space<semaphore_mem>>)
    %dma_start3A_24 = arith.constant 64 : i32
    %dma_start3A_25 = arith.constant 0 : i32
    %dma_start3A_26 = tpu.memref_slice %arg7[%dma_start3A_24, %dma_start3A_25] : memref<512x128xf32, #tpu.memory_space<vmem>> -> memref<64x128xf32, #tpu.memory_space<vmem>>
    %dma_start3A_27 = arith.constant 64 : i32
    %dma_start3A_28 = tpu.memref_slice %arg6[%dma_start3A_27] : memref<512xi32, #tpu.memory_space<vmem>> -> memref<64xi32, #tpu.memory_space<vmem>>
    %dma_start3A_29 = arith.constant 0 : i32
    %dma_start3A_30 = arith.constant 0 : i32
    %dma_start3A_31 = tpu.memref_slice %arg8[%dma_start3A_29, %dma_start3A_30] : memref<5000x128xf32, #tpu.memory_space<vmem_shared>> -> memref<5000x128xf32, #tpu.memory_space<vmem_shared>>
    tpu.enqueue_indirect_dma source(%dma_start3A_31 : memref<5000x128xf32, #tpu.memory_space<vmem_shared>>) target(%dma_start3A_26 : memref<64x128xf32, #tpu.memory_space<vmem>>) offsets(%dma_start3A_28 : memref<64xi32, #tpu.memory_space<vmem>>) semaphore(%arg11 : memref<!tpu.dma_semaphore, #tpu.memory_space<semaphore_mem>>)
    %dma_wait3A = arith.constant 0 : i32
    %dma_wait3A_32 = arith.constant 0 : i32
    %dma_wait3A_33 = tpu.memref_slice %arg7[%dma_wait3A, %dma_wait3A_32] : memref<512x128xf32, #tpu.memory_space<vmem>> -> memref<64x128xf32, #tpu.memory_space<vmem>>
    %dma_wait3A_34 = arith.constant 0 : i32
    %dma_wait3A_35 = tpu.memref_slice %arg6[%dma_wait3A_34] : memref<512xi32, #tpu.memory_space<vmem>> -> memref<64xi32, #tpu.memory_space<vmem>>
    %dma_wait3A_36 = arith.constant 0 : i32
    %dma_wait3A_37 = arith.constant 0 : i32
    %dma_wait3A_38 = tpu.memref_slice %arg8[%dma_wait3A_36, %dma_wait3A_37] : memref<5000x128xf32, #tpu.memory_space<vmem_shared>> -> memref<5000x128xf32, #tpu.memory_space<vmem_shared>>
    tpu.wait_indirect_dma semaphore(%arg10 : memref<!tpu.dma_semaphore, #tpu.memory_space<semaphore_mem>>) src(%dma_wait3A_38 : memref<5000x128xf32, #tpu.memory_space<vmem_shared>>) dst(%dma_wait3A_33 : memref<64x128xf32, #tpu.memory_space<vmem>>)
    %add3A_39 = arith.constant 0 : i32
    %add3A_40 = arith.addi %mul3A_2, %add3A_39 : i32
    %dma_start3A_41 = arith.constant 0 : i32
    %dma_start3A_42 = arith.constant 0 : i32
    %dma_start3A_43 = tpu.memref_slice %arg7[%dma_start3A_41, %dma_start3A_42] : memref<512x128xf32, #tpu.memory_space<vmem>> -> memref<64x128xf32, #tpu.memory_space<vmem>>
    %dma_start3A_44 = arith.constant 0 : i32
    %dma_start3A_45 = tpu.memref_slice %arg4[%add3A_40, %dma_start3A_44] : memref<16384x128xf32, #tpu.memory_space<hbm>> -> memref<64x128xf32, #tpu.memory_space<hbm>>
    %dma_start3A_46 = arith.constant 0 : i32
    %dma_start3A_47 = tpu.memref_slice %arg4[%add3A_40, %dma_start3A_46] : memref<16384x128xf32, #tpu.memory_space<hbm>> -> memref<64x128xf32, #tpu.memory_space<hbm>>
    %dma_start3A_48 = arith.constant 0 : i32
    %dma_start3A_49 = arith.constant 0 : i32
    %dma_start3A_50 = tpu.memref_slice %arg7[%dma_start3A_48, %dma_start3A_49] : memref<512x128xf32, #tpu.memory_space<vmem>> -> memref<64x128xf32, #tpu.memory_space<vmem>>
    tpu.enqueue_dma source(%dma_start3A_50 : memref<64x128xf32, #tpu.memory_space<vmem>>) target(%dma_start3A_47 : memref<64x128xf32, #tpu.memory_space<hbm>>) target_semaphore(%arg12 : memref<!tpu.dma_semaphore, #tpu.memory_space<semaphore_mem>>)
    %dma_start3A_51 = arith.constant 128 : i32
    %dma_start3A_52 = arith.constant 0 : i32
    %dma_start3A_53 = tpu.memref_slice %arg7[%dma_start3A_51, %dma_start3A_52] : memref<512x128xf32, #tpu.memory_space<vmem>> -> memref<64x128xf32, #tpu.memory_space<vmem>>
    %dma_start3A_54 = arith.constant 128 : i32
    %dma_start3A_55 = tpu.memref_slice %arg6[%dma_start3A_54] : memref<512xi32, #tpu.memory_space<vmem>> -> memref<64xi32, #tpu.memory_space<vmem>>
    %dma_start3A_56 = arith.constant 0 : i32
    %dma_start3A_57 = arith.constant 0 : i32
    %dma_start3A_58 = tpu.memref_slice %arg8[%dma_start3A_56, %dma_start3A_57] : memref<5000x128xf32, #tpu.memory_space<vmem_shared>> -> memref<5000x128xf32, #tpu.memory_space<vmem_shared>>
    tpu.enqueue_indirect_dma source(%dma_start3A_58 : memref<5000x128xf32, #tpu.memory_space<vmem_shared>>) target(%dma_start3A_53 : memref<64x128xf32, #tpu.memory_space<vmem>>) offsets(%dma_start3A_55 : memref<64xi32, #tpu.memory_space<vmem>>) semaphore(%arg10 : memref<!tpu.dma_semaphore, #tpu.memory_space<semaphore_mem>>)
    %dma_wait3A_59 = arith.constant 64 : i32
    %dma_wait3A_60 = arith.constant 0 : i32
    %dma_wait3A_61 = tpu.memref_slice %arg7[%dma_wait3A_59, %dma_wait3A_60] : memref<512x128xf32, #tpu.memory_space<vmem>> -> memref<64x128xf32, #tpu.memory_space<vmem>>
    %dma_wait3A_62 = arith.constant 64 : i32
    %dma_wait3A_63 = tpu.memref_slice %arg6[%dma_wait3A_62] : memref<512xi32, #tpu.memory_space<vmem>> -> memref<64xi32, #tpu.memory_space<vmem>>
    %dma_wait3A_64 = arith.constant 0 : i32
    %dma_wait3A_65 = arith.constant 0 : i32
    %dma_wait3A_66 = tpu.memref_slice %arg8[%dma_wait3A_64, %dma_wait3A_65] : memref<5000x128xf32, #tpu.memory_space<vmem_shared>> -> memref<5000x128xf32, #tpu.memory_space<vmem_shared>>
    tpu.wait_indirect_dma semaphore(%arg11 : memref<!tpu.dma_semaphore, #tpu.memory_space<semaphore_mem>>) src(%dma_wait3A_66 : memref<5000x128xf32, #tpu.memory_space<vmem_shared>>) dst(%dma_wait3A_61 : memref<64x128xf32, #tpu.memory_space<vmem>>)
    %add3A_67 = arith.constant 64 : i32
    %add3A_68 = arith.addi %mul3A_2, %add3A_67 : i32
    %dma_start3A_69 = arith.constant 64 : i32
    %dma_start3A_70 = arith.constant 0 : i32
    %dma_start3A_71 = tpu.memref_slice %arg7[%dma_start3A_69, %dma_start3A_70] : memref<512x128xf32, #tpu.memory_space<vmem>> -> memref<64x128xf32, #tpu.memory_space<vmem>>
    %dma_start3A_72 = arith.constant 0 : i32
    %dma_start3A_73 = tpu.memref_slice %arg4[%add3A_68, %dma_start3A_72] : memref<16384x128xf32, #tpu.memory_space<hbm>> -> memref<64x128xf32, #tpu.memory_space<hbm>>
    %dma_start3A_74 = arith.constant 0 : i32
    %dma_start3A_75 = tpu.memref_slice %arg4[%add3A_68, %dma_start3A_74] : memref<16384x128xf32, #tpu.memory_space<hbm>> -> memref<64x128xf32, #tpu.memory_space<hbm>>
    %dma_start3A_76 = arith.constant 64 : i32
    %dma_start3A_77 = arith.constant 0 : i32
    %dma_start3A_78 = tpu.memref_slice %arg7[%dma_start3A_76, %dma_start3A_77] : memref<512x128xf32, #tpu.memory_space<vmem>> -> memref<64x128xf32, #tpu.memory_space<vmem>>
    tpu.enqueue_dma source(%dma_start3A_78 : memref<64x128xf32, #tpu.memory_space<vmem>>) target(%dma_start3A_75 : memref<64x128xf32, #tpu.memory_space<hbm>>) target_semaphore(%arg12 : memref<!tpu.dma_semaphore, #tpu.memory_space<semaphore_mem>>)
    %dma_start3A_79 = arith.constant 192 : i32
    %dma_start3A_80 = arith.constant 0 : i32
    %dma_start3A_81 = tpu.memref_slice %arg7[%dma_start3A_79, %dma_start3A_80] : memref<512x128xf32, #tpu.memory_space<vmem>> -> memref<64x128xf32, #tpu.memory_space<vmem>>
    %dma_start3A_82 = arith.constant 192 : i32
    %dma_start3A_83 = tpu.memref_slice %arg6[%dma_start3A_82] : memref<512xi32, #tpu.memory_space<vmem>> -> memref<64xi32, #tpu.memory_space<vmem>>
    %dma_start3A_84 = arith.constant 0 : i32
    %dma_start3A_85 = arith.constant 0 : i32
    %dma_start3A_86 = tpu.memref_slice %arg8[%dma_start3A_84, %dma_start3A_85] : memref<5000x128xf32, #tpu.memory_space<vmem_shared>> -> memref<5000x128xf32, #tpu.memory_space<vmem_shared>>
    tpu.enqueue_indirect_dma source(%dma_start3A_86 : memref<5000x128xf32, #tpu.memory_space<vmem_shared>>) target(%dma_start3A_81 : memref<64x128xf32, #tpu.memory_space<vmem>>) offsets(%dma_start3A_83 : memref<64xi32, #tpu.memory_space<vmem>>) semaphore(%arg11 : memref<!tpu.dma_semaphore, #tpu.memory_space<semaphore_mem>>)
    %dma_wait3A_87 = arith.constant 128 : i32
    %dma_wait3A_88 = arith.constant 0 : i32
    %dma_wait3A_89 = tpu.memref_slice %arg7[%dma_wait3A_87, %dma_wait3A_88] : memref<512x128xf32, #tpu.memory_space<vmem>> -> memref<64x128xf32, #tpu.memory_space<vmem>>
    %dma_wait3A_90 = arith.constant 128 : i32
    %dma_wait3A_91 = tpu.memref_slice %arg6[%dma_wait3A_90] : memref<512xi32, #tpu.memory_space<vmem>> -> memref<64xi32, #tpu.memory_space<vmem>>
    %dma_wait3A_92 = arith.constant 0 : i32
    %dma_wait3A_93 = arith.constant 0 : i32
    %dma_wait3A_94 = tpu.memref_slice %arg8[%dma_wait3A_92, %dma_wait3A_93] : memref<5000x128xf32, #tpu.memory_space<vmem_shared>> -> memref<5000x128xf32, #tpu.memory_space<vmem_shared>>
    tpu.wait_indirect_dma semaphore(%arg10 : memref<!tpu.dma_semaphore, #tpu.memory_space<semaphore_mem>>) src(%dma_wait3A_94 : memref<5000x128xf32, #tpu.memory_space<vmem_shared>>) dst(%dma_wait3A_89 : memref<64x128xf32, #tpu.memory_space<vmem>>)
    %add3A_95 = arith.constant 128 : i32
    %add3A_96 = arith.addi %mul3A_2, %add3A_95 : i32
    %dma_start3A_97 = arith.constant 128 : i32
    %dma_start3A_98 = arith.constant 0 : i32
    %dma_start3A_99 = tpu.memref_slice %arg7[%dma_start3A_97, %dma_start3A_98] : memref<512x128xf32, #tpu.memory_space<vmem>> -> memref<64x128xf32, #tpu.memory_space<vmem>>
    %dma_start3A_100 = arith.constant 0 : i32
    %dma_start3A_101 = tpu.memref_slice %arg4[%add3A_96, %dma_start3A_100] : memref<16384x128xf32, #tpu.memory_space<hbm>> -> memref<64x128xf32, #tpu.memory_space<hbm>>
    %dma_start3A_102 = arith.constant 0 : i32
    %dma_start3A_103 = tpu.memref_slice %arg4[%add3A_96, %dma_start3A_102] : memref<16384x128xf32, #tpu.memory_space<hbm>> -> memref<64x128xf32, #tpu.memory_space<hbm>>
    %dma_start3A_104 = arith.constant 128 : i32
    %dma_start3A_105 = arith.constant 0 : i32
    %dma_start3A_106 = tpu.memref_slice %arg7[%dma_start3A_104, %dma_start3A_105] : memref<512x128xf32, #tpu.memory_space<vmem>> -> memref<64x128xf32, #tpu.memory_space<vmem>>
    tpu.enqueue_dma source(%dma_start3A_106 : memref<64x128xf32, #tpu.memory_space<vmem>>) target(%dma_start3A_103 : memref<64x128xf32, #tpu.memory_space<hbm>>) target_semaphore(%arg12 : memref<!tpu.dma_semaphore, #tpu.memory_space<semaphore_mem>>)
    %dma_start3A_107 = arith.constant 256 : i32
    %dma_start3A_108 = arith.constant 0 : i32
    %dma_start3A_109 = tpu.memref_slice %arg7[%dma_start3A_107, %dma_start3A_108] : memref<512x128xf32, #tpu.memory_space<vmem>> -> memref<64x128xf32, #tpu.memory_space<vmem>>
    %dma_start3A_110 = arith.constant 256 : i32
    %dma_start3A_111 = tpu.memref_slice %arg6[%dma_start3A_110] : memref<512xi32, #tpu.memory_space<vmem>> -> memref<64xi32, #tpu.memory_space<vmem>>
    %dma_start3A_112 = arith.constant 0 : i32
    %dma_start3A_113 = arith.constant 0 : i32
    %dma_start3A_114 = tpu.memref_slice %arg8[%dma_start3A_112, %dma_start3A_113] : memref<5000x128xf32, #tpu.memory_space<vmem_shared>> -> memref<5000x128xf32, #tpu.memory_space<vmem_shared>>
    tpu.enqueue_indirect_dma source(%dma_start3A_114 : memref<5000x128xf32, #tpu.memory_space<vmem_shared>>) target(%dma_start3A_109 : memref<64x128xf32, #tpu.memory_space<vmem>>) offsets(%dma_start3A_111 : memref<64xi32, #tpu.memory_space<vmem>>) semaphore(%arg10 : memref<!tpu.dma_semaphore, #tpu.memory_space<semaphore_mem>>)
    %dma_wait3A_115 = arith.constant 192 : i32
    %dma_wait3A_116 = arith.constant 0 : i32
    %dma_wait3A_117 = tpu.memref_slice %arg7[%dma_wait3A_115, %dma_wait3A_116] : memref<512x128xf32, #tpu.memory_space<vmem>> -> memref<64x128xf32, #tpu.memory_space<vmem>>
    %dma_wait3A_118 = arith.constant 192 : i32
    %dma_wait3A_119 = tpu.memref_slice %arg6[%dma_wait3A_118] : memref<512xi32, #tpu.memory_space<vmem>> -> memref<64xi32, #tpu.memory_space<vmem>>
    %dma_wait3A_120 = arith.constant 0 : i32
    %dma_wait3A_121 = arith.constant 0 : i32
    %dma_wait3A_122 = tpu.memref_slice %arg8[%dma_wait3A_120, %dma_wait3A_121] : memref<5000x128xf32, #tpu.memory_space<vmem_shared>> -> memref<5000x128xf32, #tpu.memory_space<vmem_shared>>
    tpu.wait_indirect_dma semaphore(%arg11 : memref<!tpu.dma_semaphore, #tpu.memory_space<semaphore_mem>>) src(%dma_wait3A_122 : memref<5000x128xf32, #tpu.memory_space<vmem_shared>>) dst(%dma_wait3A_117 : memref<64x128xf32, #tpu.memory_space<vmem>>)
    %add3A_123 = arith.constant 192 : i32
    %add3A_124 = arith.addi %mul3A_2, %add3A_123 : i32
    %dma_start3A_125 = arith.constant 192 : i32
    %dma_start3A_126 = arith.constant 0 : i32
    %dma_start3A_127 = tpu.memref_slice %arg7[%dma_start3A_125, %dma_start3A_126] : memref<512x128xf32, #tpu.memory_space<vmem>> -> memref<64x128xf32, #tpu.memory_space<vmem>>
    %dma_start3A_128 = arith.constant 0 : i32
    %dma_start3A_129 = tpu.memref_slice %arg4[%add3A_124, %dma_start3A_128] : memref<16384x128xf32, #tpu.memory_space<hbm>> -> memref<64x128xf32, #tpu.memory_space<hbm>>
    %dma_start3A_130 = arith.constant 0 : i32
    %dma_start3A_131 = tpu.memref_slice %arg4[%add3A_124, %dma_start3A_130] : memref<16384x128xf32, #tpu.memory_space<hbm>> -> memref<64x128xf32, #tpu.memory_space<hbm>>
    %dma_start3A_132 = arith.constant 192 : i32
    %dma_start3A_133 = arith.constant 0 : i32
    %dma_start3A_134 = tpu.memref_slice %arg7[%dma_start3A_132, %dma_start3A_133] : memref<512x128xf32, #tpu.memory_space<vmem>> -> memref<64x128xf32, #tpu.memory_space<vmem>>
    tpu.enqueue_dma source(%dma_start3A_134 : memref<64x128xf32, #tpu.memory_space<vmem>>) target(%dma_start3A_131 : memref<64x128xf32, #tpu.memory_space<hbm>>) target_semaphore(%arg12 : memref<!tpu.dma_semaphore, #tpu.memory_space<semaphore_mem>>)
    %dma_start3A_135 = arith.constant 320 : i32
    %dma_start3A_136 = arith.constant 0 : i32
    %dma_start3A_137 = tpu.memref_slice %arg7[%dma_start3A_135, %dma_start3A_136] : memref<512x128xf32, #tpu.memory_space<vmem>> -> memref<64x128xf32, #tpu.memory_space<vmem>>
    %dma_start3A_138 = arith.constant 320 : i32
    %dma_start3A_139 = tpu.memref_slice %arg6[%dma_start3A_138] : memref<512xi32, #tpu.memory_space<vmem>> -> memref<64xi32, #tpu.memory_space<vmem>>
    %dma_start3A_140 = arith.constant 0 : i32
    %dma_start3A_141 = arith.constant 0 : i32
    %dma_start3A_142 = tpu.memref_slice %arg8[%dma_start3A_140, %dma_start3A_141] : memref<5000x128xf32, #tpu.memory_space<vmem_shared>> -> memref<5000x128xf32, #tpu.memory_space<vmem_shared>>
    tpu.enqueue_indirect_dma source(%dma_start3A_142 : memref<5000x128xf32, #tpu.memory_space<vmem_shared>>) target(%dma_start3A_137 : memref<64x128xf32, #tpu.memory_space<vmem>>) offsets(%dma_start3A_139 : memref<64xi32, #tpu.memory_space<vmem>>) semaphore(%arg11 : memref<!tpu.dma_semaphore, #tpu.memory_space<semaphore_mem>>)
    %dma_wait3A_143 = arith.constant 256 : i32
    %dma_wait3A_144 = arith.constant 0 : i32
    %dma_wait3A_145 = tpu.memref_slice %arg7[%dma_wait3A_143, %dma_wait3A_144] : memref<512x128xf32, #tpu.memory_space<vmem>> -> memref<64x128xf32, #tpu.memory_space<vmem>>
    %dma_wait3A_146 = arith.constant 256 : i32
    %dma_wait3A_147 = tpu.memref_slice %arg6[%dma_wait3A_146] : memref<512xi32, #tpu.memory_space<vmem>> -> memref<64xi32, #tpu.memory_space<vmem>>
    %dma_wait3A_148 = arith.constant 0 : i32
    %dma_wait3A_149 = arith.constant 0 : i32
    %dma_wait3A_150 = tpu.memref_slice %arg8[%dma_wait3A_148, %dma_wait3A_149] : memref<5000x128xf32, #tpu.memory_space<vmem_shared>> -> memref<5000x128xf32, #tpu.memory_space<vmem_shared>>
    tpu.wait_indirect_dma semaphore(%arg10 : memref<!tpu.dma_semaphore, #tpu.memory_space<semaphore_mem>>) src(%dma_wait3A_150 : memref<5000x128xf32, #tpu.memory_space<vmem_shared>>) dst(%dma_wait3A_145 : memref<64x128xf32, #tpu.memory_space<vmem>>)
    %add3A_151 = arith.constant 256 : i32
    %add3A_152 = arith.addi %mul3A_2, %add3A_151 : i32
    %dma_start3A_153 = arith.constant 256 : i32
    %dma_start3A_154 = arith.constant 0 : i32
    %dma_start3A_155 = tpu.memref_slice %arg7[%dma_start3A_153, %dma_start3A_154] : memref<512x128xf32, #tpu.memory_space<vmem>> -> memref<64x128xf32, #tpu.memory_space<vmem>>
    %dma_start3A_156 = arith.constant 0 : i32
    %dma_start3A_157 = tpu.memref_slice %arg4[%add3A_152, %dma_start3A_156] : memref<16384x128xf32, #tpu.memory_space<hbm>> -> memref<64x128xf32, #tpu.memory_space<hbm>>
    %dma_start3A_158 = arith.constant 0 : i32
    %dma_start3A_159 = tpu.memref_slice %arg4[%add3A_152, %dma_start3A_158] : memref<16384x128xf32, #tpu.memory_space<hbm>> -> memref<64x128xf32, #tpu.memory_space<hbm>>
    %dma_start3A_160 = arith.constant 256 : i32
    %dma_start3A_161 = arith.constant 0 : i32
    %dma_start3A_162 = tpu.memref_slice %arg7[%dma_start3A_160, %dma_start3A_161] : memref<512x128xf32, #tpu.memory_space<vmem>> -> memref<64x128xf32, #tpu.memory_space<vmem>>
    tpu.enqueue_dma source(%dma_start3A_162 : memref<64x128xf32, #tpu.memory_space<vmem>>) target(%dma_start3A_159 : memref<64x128xf32, #tpu.memory_space<hbm>>) target_semaphore(%arg12 : memref<!tpu.dma_semaphore, #tpu.memory_space<semaphore_mem>>)
    %dma_start3A_163 = arith.constant 384 : i32
    %dma_start3A_164 = arith.constant 0 : i32
    %dma_start3A_165 = tpu.memref_slice %arg7[%dma_start3A_163, %dma_start3A_164] : memref<512x128xf32, #tpu.memory_space<vmem>> -> memref<64x128xf32, #tpu.memory_space<vmem>>
    %dma_start3A_166 = arith.constant 384 : i32
    %dma_start3A_167 = tpu.memref_slice %arg6[%dma_start3A_166] : memref<512xi32, #tpu.memory_space<vmem>> -> memref<64xi32, #tpu.memory_space<vmem>>
    %dma_start3A_168 = arith.constant 0 : i32
    %dma_start3A_169 = arith.constant 0 : i32
    %dma_start3A_170 = tpu.memref_slice %arg8[%dma_start3A_168, %dma_start3A_169] : memref<5000x128xf32, #tpu.memory_space<vmem_shared>> -> memref<5000x128xf32, #tpu.memory_space<vmem_shared>>
    tpu.enqueue_indirect_dma source(%dma_start3A_170 : memref<5000x128xf32, #tpu.memory_space<vmem_shared>>) target(%dma_start3A_165 : memref<64x128xf32, #tpu.memory_space<vmem>>) offsets(%dma_start3A_167 : memref<64xi32, #tpu.memory_space<vmem>>) semaphore(%arg10 : memref<!tpu.dma_semaphore, #tpu.memory_space<semaphore_mem>>)
    %dma_wait3A_171 = arith.constant 320 : i32
    %dma_wait3A_172 = arith.constant 0 : i32
    %dma_wait3A_173 = tpu.memref_slice %arg7[%dma_wait3A_171, %dma_wait3A_172] : memref<512x128xf32, #tpu.memory_space<vmem>> -> memref<64x128xf32, #tpu.memory_space<vmem>>
    %dma_wait3A_174 = arith.constant 320 : i32
    %dma_wait3A_175 = tpu.memref_slice %arg6[%dma_wait3A_174] : memref<512xi32, #tpu.memory_space<vmem>> -> memref<64xi32, #tpu.memory_space<vmem>>
    %dma_wait3A_176 = arith.constant 0 : i32
    %dma_wait3A_177 = arith.constant 0 : i32
    %dma_wait3A_178 = tpu.memref_slice %arg8[%dma_wait3A_176, %dma_wait3A_177] : memref<5000x128xf32, #tpu.memory_space<vmem_shared>> -> memref<5000x128xf32, #tpu.memory_space<vmem_shared>>
    tpu.wait_indirect_dma semaphore(%arg11 : memref<!tpu.dma_semaphore, #tpu.memory_space<semaphore_mem>>) src(%dma_wait3A_178 : memref<5000x128xf32, #tpu.memory_space<vmem_shared>>) dst(%dma_wait3A_173 : memref<64x128xf32, #tpu.memory_space<vmem>>)
    %add3A_179 = arith.constant 320 : i32
    %add3A_180 = arith.addi %mul3A_2, %add3A_179 : i32
    %dma_start3A_181 = arith.constant 320 : i32
    %dma_start3A_182 = arith.constant 0 : i32
    %dma_start3A_183 = tpu.memref_slice %arg7[%dma_start3A_181, %dma_start3A_182] : memref<512x128xf32, #tpu.memory_space<vmem>> -> memref<64x128xf32, #tpu.memory_space<vmem>>
    %dma_start3A_184 = arith.constant 0 : i32
    %dma_start3A_185 = tpu.memref_slice %arg4[%add3A_180, %dma_start3A_184] : memref<16384x128xf32, #tpu.memory_space<hbm>> -> memref<64x128xf32, #tpu.memory_space<hbm>>
    %dma_start3A_186 = arith.constant 0 : i32
    %dma_start3A_187 = tpu.memref_slice %arg4[%add3A_180, %dma_start3A_186] : memref<16384x128xf32, #tpu.memory_space<hbm>> -> memref<64x128xf32, #tpu.memory_space<hbm>>
    %dma_start3A_188 = arith.constant 320 : i32
    %dma_start3A_189 = arith.constant 0 : i32
    %dma_start3A_190 = tpu.memref_slice %arg7[%dma_start3A_188, %dma_start3A_189] : memref<512x128xf32, #tpu.memory_space<vmem>> -> memref<64x128xf32, #tpu.memory_space<vmem>>
    tpu.enqueue_dma source(%dma_start3A_190 : memref<64x128xf32, #tpu.memory_space<vmem>>) target(%dma_start3A_187 : memref<64x128xf32, #tpu.memory_space<hbm>>) target_semaphore(%arg12 : memref<!tpu.dma_semaphore, #tpu.memory_space<semaphore_mem>>)
    %dma_start3A_191 = arith.constant 448 : i32
    %dma_start3A_192 = arith.constant 0 : i32
    %dma_start3A_193 = tpu.memref_slice %arg7[%dma_start3A_191, %dma_start3A_192] : memref<512x128xf32, #tpu.memory_space<vmem>> -> memref<64x128xf32, #tpu.memory_space<vmem>>
    %dma_start3A_194 = arith.constant 448 : i32
    %dma_start3A_195 = tpu.memref_slice %arg6[%dma_start3A_194] : memref<512xi32, #tpu.memory_space<vmem>> -> memref<64xi32, #tpu.memory_space<vmem>>
    %dma_start3A_196 = arith.constant 0 : i32
    %dma_start3A_197 = arith.constant 0 : i32
    %dma_start3A_198 = tpu.memref_slice %arg8[%dma_start3A_196, %dma_start3A_197] : memref<5000x128xf32, #tpu.memory_space<vmem_shared>> -> memref<5000x128xf32, #tpu.memory_space<vmem_shared>>
    tpu.enqueue_indirect_dma source(%dma_start3A_198 : memref<5000x128xf32, #tpu.memory_space<vmem_shared>>) target(%dma_start3A_193 : memref<64x128xf32, #tpu.memory_space<vmem>>) offsets(%dma_start3A_195 : memref<64xi32, #tpu.memory_space<vmem>>) semaphore(%arg11 : memref<!tpu.dma_semaphore, #tpu.memory_space<semaphore_mem>>)
    %dma_wait3A_199 = arith.constant 384 : i32
    %dma_wait3A_200 = arith.constant 0 : i32
    %dma_wait3A_201 = tpu.memref_slice %arg7[%dma_wait3A_199, %dma_wait3A_200] : memref<512x128xf32, #tpu.memory_space<vmem>> -> memref<64x128xf32, #tpu.memory_space<vmem>>
    %dma_wait3A_202 = arith.constant 384 : i32
    %dma_wait3A_203 = tpu.memref_slice %arg6[%dma_wait3A_202] : memref<512xi32, #tpu.memory_space<vmem>> -> memref<64xi32, #tpu.memory_space<vmem>>
    %dma_wait3A_204 = arith.constant 0 : i32
    %dma_wait3A_205 = arith.constant 0 : i32
    %dma_wait3A_206 = tpu.memref_slice %arg8[%dma_wait3A_204, %dma_wait3A_205] : memref<5000x128xf32, #tpu.memory_space<vmem_shared>> -> memref<5000x128xf32, #tpu.memory_space<vmem_shared>>
    tpu.wait_indirect_dma semaphore(%arg10 : memref<!tpu.dma_semaphore, #tpu.memory_space<semaphore_mem>>) src(%dma_wait3A_206 : memref<5000x128xf32, #tpu.memory_space<vmem_shared>>) dst(%dma_wait3A_201 : memref<64x128xf32, #tpu.memory_space<vmem>>)
    %add3A_207 = arith.constant 384 : i32
    %add3A_208 = arith.addi %mul3A_2, %add3A_207 : i32
    %dma_start3A_209 = arith.constant 384 : i32
    %dma_start3A_210 = arith.constant 0 : i32
    %dma_start3A_211 = tpu.memref_slice %arg7[%dma_start3A_209, %dma_start3A_210] : memref<512x128xf32, #tpu.memory_space<vmem>> -> memref<64x128xf32, #tpu.memory_space<vmem>>
    %dma_start3A_212 = arith.constant 0 : i32
    %dma_start3A_213 = tpu.memref_slice %arg4[%add3A_208, %dma_start3A_212] : memref<16384x128xf32, #tpu.memory_space<hbm>> -> memref<64x128xf32, #tpu.memory_space<hbm>>
    %dma_start3A_214 = arith.constant 0 : i32
    %dma_start3A_215 = tpu.memref_slice %arg4[%add3A_208, %dma_start3A_214] : memref<16384x128xf32, #tpu.memory_space<hbm>> -> memref<64x128xf32, #tpu.memory_space<hbm>>
    %dma_start3A_216 = arith.constant 384 : i32
    %dma_start3A_217 = arith.constant 0 : i32
    %dma_start3A_218 = tpu.memref_slice %arg7[%dma_start3A_216, %dma_start3A_217] : memref<512x128xf32, #tpu.memory_space<vmem>> -> memref<64x128xf32, #tpu.memory_space<vmem>>
    tpu.enqueue_dma source(%dma_start3A_218 : memref<64x128xf32, #tpu.memory_space<vmem>>) target(%dma_start3A_215 : memref<64x128xf32, #tpu.memory_space<hbm>>) target_semaphore(%arg12 : memref<!tpu.dma_semaphore, #tpu.memory_space<semaphore_mem>>)
    %dma_wait3A_219 = arith.constant 448 : i32
    %dma_wait3A_220 = arith.constant 0 : i32
    %dma_wait3A_221 = tpu.memref_slice %arg7[%dma_wait3A_219, %dma_wait3A_220] : memref<512x128xf32, #tpu.memory_space<vmem>> -> memref<64x128xf32, #tpu.memory_space<vmem>>
    %dma_wait3A_222 = arith.constant 448 : i32
    %dma_wait3A_223 = tpu.memref_slice %arg6[%dma_wait3A_222] : memref<512xi32, #tpu.memory_space<vmem>> -> memref<64xi32, #tpu.memory_space<vmem>>
    %dma_wait3A_224 = arith.constant 0 : i32
    %dma_wait3A_225 = arith.constant 0 : i32
    %dma_wait3A_226 = tpu.memref_slice %arg8[%dma_wait3A_224, %dma_wait3A_225] : memref<5000x128xf32, #tpu.memory_space<vmem_shared>> -> memref<5000x128xf32, #tpu.memory_space<vmem_shared>>
    tpu.wait_indirect_dma semaphore(%arg11 : memref<!tpu.dma_semaphore, #tpu.memory_space<semaphore_mem>>) src(%dma_wait3A_226 : memref<5000x128xf32, #tpu.memory_space<vmem_shared>>) dst(%dma_wait3A_221 : memref<64x128xf32, #tpu.memory_space<vmem>>)
    %add3A_227 = arith.constant 448 : i32
    %add3A_228 = arith.addi %mul3A_2, %add3A_227 : i32
    %dma_start3A_229 = arith.constant 448 : i32
    %dma_start3A_230 = arith.constant 0 : i32
    %dma_start3A_231 = tpu.memref_slice %arg7[%dma_start3A_229, %dma_start3A_230] : memref<512x128xf32, #tpu.memory_space<vmem>> -> memref<64x128xf32, #tpu.memory_space<vmem>>
    %dma_start3A_232 = arith.constant 0 : i32
    %dma_start3A_233 = tpu.memref_slice %arg4[%add3A_228, %dma_start3A_232] : memref<16384x128xf32, #tpu.memory_space<hbm>> -> memref<64x128xf32, #tpu.memory_space<hbm>>
    %dma_start3A_234 = arith.constant 0 : i32
    %dma_start3A_235 = tpu.memref_slice %arg4[%add3A_228, %dma_start3A_234] : memref<16384x128xf32, #tpu.memory_space<hbm>> -> memref<64x128xf32, #tpu.memory_space<hbm>>
    %dma_start3A_236 = arith.constant 448 : i32
    %dma_start3A_237 = arith.constant 0 : i32
    %dma_start3A_238 = tpu.memref_slice %arg7[%dma_start3A_236, %dma_start3A_237] : memref<512x128xf32, #tpu.memory_space<vmem>> -> memref<64x128xf32, #tpu.memory_space<vmem>>
    tpu.enqueue_dma source(%dma_start3A_238 : memref<64x128xf32, #tpu.memory_space<vmem>>) target(%dma_start3A_235 : memref<64x128xf32, #tpu.memory_space<hbm>>) target_semaphore(%arg12 : memref<!tpu.dma_semaphore, #tpu.memory_space<semaphore_mem>>)
    %dma_wait3A_239 = arith.constant 0 : i32
    %dma_wait3A_240 = arith.constant 0 : i32
    %dma_wait3A_241 = tpu.memref_slice %arg7[%dma_wait3A_239, %dma_wait3A_240] : memref<512x128xf32, #tpu.memory_space<vmem>> -> memref<64x128xf32, #tpu.memory_space<vmem>>
    %dma_wait3A_242 = arith.constant 0 : i32
    %dma_wait3A_243 = tpu.memref_slice %arg4[%add3A_40, %dma_wait3A_242] : memref<16384x128xf32, #tpu.memory_space<hbm>> -> memref<64x128xf32, #tpu.memory_space<hbm>>
    %dma_wait3A_244 = arith.constant 0 : i32
    %dma_wait3A_245 = tpu.memref_slice %arg4[%add3A_40, %dma_wait3A_244] : memref<16384x128xf32, #tpu.memory_space<hbm>> -> memref<64x128xf32, #tpu.memory_space<hbm>>
    %dma_wait3A_246 = arith.constant 0 : i32
    %dma_wait3A_247 = arith.constant 0 : i32
    %dma_wait3A_248 = tpu.memref_slice %arg7[%dma_wait3A_246, %dma_wait3A_247] : memref<512x128xf32, #tpu.memory_space<vmem>> -> memref<64x128xf32, #tpu.memory_space<vmem>>
    tpu.wait_dma2 semaphore(%arg12 : memref<!tpu.dma_semaphore, #tpu.memory_space<semaphore_mem>>) src(%dma_wait3A_248 : memref<64x128xf32, #tpu.memory_space<vmem>>) dst(%dma_wait3A_245 : memref<64x128xf32, #tpu.memory_space<hbm>>)
    %dma_wait3A_249 = arith.constant 64 : i32
    %dma_wait3A_250 = arith.constant 0 : i32
    %dma_wait3A_251 = tpu.memref_slice %arg7[%dma_wait3A_249, %dma_wait3A_250] : memref<512x128xf32, #tpu.memory_space<vmem>> -> memref<64x128xf32, #tpu.memory_space<vmem>>
    %dma_wait3A_252 = arith.constant 0 : i32
    %dma_wait3A_253 = tpu.memref_slice %arg4[%add3A_68, %dma_wait3A_252] : memref<16384x128xf32, #tpu.memory_space<hbm>> -> memref<64x128xf32, #tpu.memory_space<hbm>>
    %dma_wait3A_254 = arith.constant 0 : i32
    %dma_wait3A_255 = tpu.memref_slice %arg4[%add3A_68, %dma_wait3A_254] : memref<16384x128xf32, #tpu.memory_space<hbm>> -> memref<64x128xf32, #tpu.memory_space<hbm>>
    %dma_wait3A_256 = arith.constant 64 : i32
    %dma_wait3A_257 = arith.constant 0 : i32
    %dma_wait3A_258 = tpu.memref_slice %arg7[%dma_wait3A_256, %dma_wait3A_257] : memref<512x128xf32, #tpu.memory_space<vmem>> -> memref<64x128xf32, #tpu.memory_space<vmem>>
    tpu.wait_dma2 semaphore(%arg12 : memref<!tpu.dma_semaphore, #tpu.memory_space<semaphore_mem>>) src(%dma_wait3A_258 : memref<64x128xf32, #tpu.memory_space<vmem>>) dst(%dma_wait3A_255 : memref<64x128xf32, #tpu.memory_space<hbm>>)
    %dma_wait3A_259 = arith.constant 128 : i32
    %dma_wait3A_260 = arith.constant 0 : i32
    %dma_wait3A_261 = tpu.memref_slice %arg7[%dma_wait3A_259, %dma_wait3A_260] : memref<512x128xf32, #tpu.memory_space<vmem>> -> memref<64x128xf32, #tpu.memory_space<vmem>>
    %dma_wait3A_262 = arith.constant 0 : i32
    %dma_wait3A_263 = tpu.memref_slice %arg4[%add3A_96, %dma_wait3A_262] : memref<16384x128xf32, #tpu.memory_space<hbm>> -> memref<64x128xf32, #tpu.memory_space<hbm>>
    %dma_wait3A_264 = arith.constant 0 : i32
    %dma_wait3A_265 = tpu.memref_slice %arg4[%add3A_96, %dma_wait3A_264] : memref<16384x128xf32, #tpu.memory_space<hbm>> -> memref<64x128xf32, #tpu.memory_space<hbm>>
    %dma_wait3A_266 = arith.constant 128 : i32
    %dma_wait3A_267 = arith.constant 0 : i32
    %dma_wait3A_268 = tpu.memref_slice %arg7[%dma_wait3A_266, %dma_wait3A_267] : memref<512x128xf32, #tpu.memory_space<vmem>> -> memref<64x128xf32, #tpu.memory_space<vmem>>
    tpu.wait_dma2 semaphore(%arg12 : memref<!tpu.dma_semaphore, #tpu.memory_space<semaphore_mem>>) src(%dma_wait3A_268 : memref<64x128xf32, #tpu.memory_space<vmem>>) dst(%dma_wait3A_265 : memref<64x128xf32, #tpu.memory_space<hbm>>)
    %dma_wait3A_269 = arith.constant 192 : i32
    %dma_wait3A_270 = arith.constant 0 : i32
    %dma_wait3A_271 = tpu.memref_slice %arg7[%dma_wait3A_269, %dma_wait3A_270] : memref<512x128xf32, #tpu.memory_space<vmem>> -> memref<64x128xf32, #tpu.memory_space<vmem>>
    %dma_wait3A_272 = arith.constant 0 : i32
    %dma_wait3A_273 = tpu.memref_slice %arg4[%add3A_124, %dma_wait3A_272] : memref<16384x128xf32, #tpu.memory_space<hbm>> -> memref<64x128xf32, #tpu.memory_space<hbm>>
    %dma_wait3A_274 = arith.constant 0 : i32
    %dma_wait3A_275 = tpu.memref_slice %arg4[%add3A_124, %dma_wait3A_274] : memref<16384x128xf32, #tpu.memory_space<hbm>> -> memref<64x128xf32, #tpu.memory_space<hbm>>
    %dma_wait3A_276 = arith.constant 192 : i32
    %dma_wait3A_277 = arith.constant 0 : i32
    %dma_wait3A_278 = tpu.memref_slice %arg7[%dma_wait3A_276, %dma_wait3A_277] : memref<512x128xf32, #tpu.memory_space<vmem>> -> memref<64x128xf32, #tpu.memory_space<vmem>>
    tpu.wait_dma2 semaphore(%arg12 : memref<!tpu.dma_semaphore, #tpu.memory_space<semaphore_mem>>) src(%dma_wait3A_278 : memref<64x128xf32, #tpu.memory_space<vmem>>) dst(%dma_wait3A_275 : memref<64x128xf32, #tpu.memory_space<hbm>>)
    %dma_wait3A_279 = arith.constant 256 : i32
    %dma_wait3A_280 = arith.constant 0 : i32
    %dma_wait3A_281 = tpu.memref_slice %arg7[%dma_wait3A_279, %dma_wait3A_280] : memref<512x128xf32, #tpu.memory_space<vmem>> -> memref<64x128xf32, #tpu.memory_space<vmem>>
    %dma_wait3A_282 = arith.constant 0 : i32
    %dma_wait3A_283 = tpu.memref_slice %arg4[%add3A_152, %dma_wait3A_282] : memref<16384x128xf32, #tpu.memory_space<hbm>> -> memref<64x128xf32, #tpu.memory_space<hbm>>
    %dma_wait3A_284 = arith.constant 0 : i32
    %dma_wait3A_285 = tpu.memref_slice %arg4[%add3A_152, %dma_wait3A_284] : memref<16384x128xf32, #tpu.memory_space<hbm>> -> memref<64x128xf32, #tpu.memory_space<hbm>>
    %dma_wait3A_286 = arith.constant 256 : i32
    %dma_wait3A_287 = arith.constant 0 : i32
    %dma_wait3A_288 = tpu.memref_slice %arg7[%dma_wait3A_286, %dma_wait3A_287] : memref<512x128xf32, #tpu.memory_space<vmem>> -> memref<64x128xf32, #tpu.memory_space<vmem>>
    tpu.wait_dma2 semaphore(%arg12 : memref<!tpu.dma_semaphore, #tpu.memory_space<semaphore_mem>>) src(%dma_wait3A_288 : memref<64x128xf32, #tpu.memory_space<vmem>>) dst(%dma_wait3A_285 : memref<64x128xf32, #tpu.memory_space<hbm>>)
    %dma_wait3A_289 = arith.constant 320 : i32
    %dma_wait3A_290 = arith.constant 0 : i32
    %dma_wait3A_291 = tpu.memref_slice %arg7[%dma_wait3A_289, %dma_wait3A_290] : memref<512x128xf32, #tpu.memory_space<vmem>> -> memref<64x128xf32, #tpu.memory_space<vmem>>
    %dma_wait3A_292 = arith.constant 0 : i32
    %dma_wait3A_293 = tpu.memref_slice %arg4[%add3A_180, %dma_wait3A_292] : memref<16384x128xf32, #tpu.memory_space<hbm>> -> memref<64x128xf32, #tpu.memory_space<hbm>>
    %dma_wait3A_294 = arith.constant 0 : i32
    %dma_wait3A_295 = tpu.memref_slice %arg4[%add3A_180, %dma_wait3A_294] : memref<16384x128xf32, #tpu.memory_space<hbm>> -> memref<64x128xf32, #tpu.memory_space<hbm>>
    %dma_wait3A_296 = arith.constant 320 : i32
    %dma_wait3A_297 = arith.constant 0 : i32
    %dma_wait3A_298 = tpu.memref_slice %arg7[%dma_wait3A_296, %dma_wait3A_297] : memref<512x128xf32, #tpu.memory_space<vmem>> -> memref<64x128xf32, #tpu.memory_space<vmem>>
    tpu.wait_dma2 semaphore(%arg12 : memref<!tpu.dma_semaphore, #tpu.memory_space<semaphore_mem>>) src(%dma_wait3A_298 : memref<64x128xf32, #tpu.memory_space<vmem>>) dst(%dma_wait3A_295 : memref<64x128xf32, #tpu.memory_space<hbm>>)
    %dma_wait3A_299 = arith.constant 384 : i32
    %dma_wait3A_300 = arith.constant 0 : i32
    %dma_wait3A_301 = tpu.memref_slice %arg7[%dma_wait3A_299, %dma_wait3A_300] : memref<512x128xf32, #tpu.memory_space<vmem>> -> memref<64x128xf32, #tpu.memory_space<vmem>>
    %dma_wait3A_302 = arith.constant 0 : i32
    %dma_wait3A_303 = tpu.memref_slice %arg4[%add3A_208, %dma_wait3A_302] : memref<16384x128xf32, #tpu.memory_space<hbm>> -> memref<64x128xf32, #tpu.memory_space<hbm>>
    %dma_wait3A_304 = arith.constant 0 : i32
    %dma_wait3A_305 = tpu.memref_slice %arg4[%add3A_208, %dma_wait3A_304] : memref<16384x128xf32, #tpu.memory_space<hbm>> -> memref<64x128xf32, #tpu.memory_space<hbm>>
    %dma_wait3A_306 = arith.constant 384 : i32
    %dma_wait3A_307 = arith.constant 0 : i32
    %dma_wait3A_308 = tpu.memref_slice %arg7[%dma_wait3A_306, %dma_wait3A_307] : memref<512x128xf32, #tpu.memory_space<vmem>> -> memref<64x128xf32, #tpu.memory_space<vmem>>
    tpu.wait_dma2 semaphore(%arg12 : memref<!tpu.dma_semaphore, #tpu.memory_space<semaphore_mem>>) src(%dma_wait3A_308 : memref<64x128xf32, #tpu.memory_space<vmem>>) dst(%dma_wait3A_305 : memref<64x128xf32, #tpu.memory_space<hbm>>)
    %dma_wait3A_309 = arith.constant 448 : i32
    %dma_wait3A_310 = arith.constant 0 : i32
    %dma_wait3A_311 = tpu.memref_slice %arg7[%dma_wait3A_309, %dma_wait3A_310] : memref<512x128xf32, #tpu.memory_space<vmem>> -> memref<64x128xf32, #tpu.memory_space<vmem>>
    %dma_wait3A_312 = arith.constant 0 : i32
    %dma_wait3A_313 = tpu.memref_slice %arg4[%add3A_228, %dma_wait3A_312] : memref<16384x128xf32, #tpu.memory_space<hbm>> -> memref<64x128xf32, #tpu.memory_space<hbm>>
    %dma_wait3A_314 = arith.constant 0 : i32
    %dma_wait3A_315 = tpu.memref_slice %arg4[%add3A_228, %dma_wait3A_314] : memref<16384x128xf32, #tpu.memory_space<hbm>> -> memref<64x128xf32, #tpu.memory_space<hbm>>
    %dma_wait3A_316 = arith.constant 448 : i32
    %dma_wait3A_317 = arith.constant 0 : i32
    %dma_wait3A_318 = tpu.memref_slice %arg7[%dma_wait3A_316, %dma_wait3A_317] : memref<512x128xf32, #tpu.memory_space<vmem>> -> memref<64x128xf32, #tpu.memory_space<vmem>>
    tpu.wait_dma2 semaphore(%arg12 : memref<!tpu.dma_semaphore, #tpu.memory_space<semaphore_mem>>) src(%dma_wait3A_318 : memref<64x128xf32, #tpu.memory_space<vmem>>) dst(%dma_wait3A_315 : memref<64x128xf32, #tpu.memory_space<hbm>>)
    return
  }
}

</mosaic_0001>

<sc_bundles>
// kernel: kernel.3.cloned.1.call-start
scs
__scs_entry_jumppad:
0x0: {  	(pc) =	sbr.rel $0x88, $3  }
0x1: {  	(tag) =	ssettag $0x0;
	lr =	simm.s32 $0x1  }
0x2: {  	[smem:$0x3F9E] =	sst lr;
	_ =	strace $0xD0000000  }
0x3: {  	_ = 	snop  }
0x4: {  	_ = 	snop  }
0x5: {  	_ = 	snop  }
0x6: {  	_ = 	snop  }
0x7: {  	_ = 	snop  }
__scs_overlays_trampoline_lowered:
0x8: {  	[smem:$0x3FAD] =	sst s0  }
0x9: {  	[smem:$0x3FAE] =	sst s1  }
0xa: {  	[smem:$0x3FAF] =	sst s2  }
0xb: {  	[smem:$0x3FB0] =	sst s3  }
0xc: {  	[smem:$0x3FB1] =	sst s4  }
0xd: {  	[smem:$0x3FB2] =	sst s5  }
0xe: {  	[smem:$0x3FB3] =	sst s6  }
0xf: {  	[smem:$0x3FB4] =	sst s7  }
0x10: {  	[smem:$0x3FB5] =	sst s8  }
0x11: {  	[smem:$0x3FB6] =	sst s9;
	s0 =	simm.s32 @!p0 $0x0  }
0x12: {  	s1 =	sld [smem:$0x3F9C];
	s0 =	simm.s32 @p0 $0x1  }
0x13: {  	[smem:$0x3FB7] =	sst s0;
	s0 =	simm.s32 @!p1 $0x0  }
0x14: {  	s2 =	sld [smem:$0x3F9B];
	s0 =	simm.s32 @p1 $0x1  }
0x15: {  	[smem:$0x3FB8] =	sst s0;
	s0 =	simm.s32 @!p2 $0x0  }
0x16: {  	s3 =	sld [smem:$0x3FDB];
	s0 =	simm.s32 @p2 $0x1  }
0x17: {  	s4 =	simm.s32 $0x1BF5;
	[smem:$0x3FBA] =	sst s0  }
0x18: {  	s0 =	sld [smem:$0x3F9D];
	_ =	swait.ge [sflag:s4], $0x0  }
0x19: {  	s7 =	sld [smem:$0x3F9E]  }
0x1a: {  	s8 =	sadd.s32 $0xFFFFE003, lr  }
0x1b: {  	s9 =	sadd.s32 $0xFFFFFEF7, lr;
	s5 =	simm.s32 $0xFFFFFFFF;
	p2 =	slt.u32 s8, $0xFFFFF086  }
0x1c: {  	p1 =	slt.u32 s9, $0xF7A;
	s5 =	simm.s32 @!p2 $0x0  }
0x1d: {  	s5 =	simm.s32 @p1 $0x1;
	p0 =	seq.s32 s7, s2  }
0x1e: {  	s7 =	smul.u32 @!p0 $0xF7A, s2;
	p2 =	seq.s32 @!p0 s5, $0x0  }
0x1f: {  	s9 =	smul.u32 $0xF7A, s1;
	s8 =	simm.s32 @!p0 $0x1BF5;
	p2 =	por !p2, p0  }
0x20: {  	[sflag:s8] =	ssyncset.s32 @!p0 $0xFFFFF086;
	s6 =	sadd.s32 @!p0 s3, s7;
	s7 =	simm.s32 @!p0 $0x108  }
0x21: {  	s3 =	sadd.s32 s3, s9;
	s6 =	sadd.s32 @!p0 $0x88, s6;
	s7 =	simm.s32 @p2 $0x1082  }
0x22: {  	[simem:s7], [sflag:s8] =	dma.local @!p0 [hbm:s6], $0xF7A  }
0x23: {  	s9 =	sor.u32 $0xD0000000, s2;
	s6 =	simm.s32 $0x108;
	_ =	swait.ge @!p0 [sflag:s8], $0x0  }
0x24: {  	s3 =	sadd.s32 $0x88, s3;
	s6 =	simm.s32 @!p1 $0x1082;
	[sflag:s4] =	ssyncset.s32 $0xFFFFF086  }
0x25: {  	[simem:s6], [sflag:s4] =	dma.local [hbm:s3], $0xF7A  }
0x26: {  	[smem:$0x3F9E] =	sst s1;
	(tag) =	ssettag s2;
	_ =	strace s9  }
0x27: {  	s1 =	sld [smem:$0x3FAE]  }
0x28: {  	s2 =	sld [smem:$0x3FAF]  }
0x29: {  	s4 =	sld [smem:$0x3FB1]  }
0x2a: {  	p0 =	seq.s32 s5, $0x0;
	s5 =	sld [smem:$0x3FB2]  }
0x2b: {  	s6 =	sld [smem:$0x3FB3]  }
0x2c: {  	s7 =	sld [smem:$0x3FB4]  }
0x2d: {  	s3 =	simm.s32 $0x108;
	s8 =	sld [smem:$0x3FB5]  }
0x2e: {  	s3 =	simm.s32 @!p0 $0x1082;
	s9 =	sld [smem:$0x3FB6]  }
0x2f: {  	lr =	sadd.s32 s0, s3;
	s0 =	sld [smem:$0x3FAD]  }
0x30: {  	s3 =	sld [smem:$0x3FB0]  }
0x31: {  	[smem:$0x3FB9] =	sst s10  }
0x32: {  	s10 =	sld [smem:$0x3FB7];
	_ =	sdelay $0x3  }
0x33: {  	p0 =	seq.s32 s10, $0x1;
	s10 =	sld [smem:$0x3FB9];
	_ =	sdelay $0x3  }
0x34: {  	[smem:$0x3FB9] =	sst s10  }
0x35: {  	s10 =	sld [smem:$0x3FB8];
	_ =	sdelay $0x3  }
0x36: {  	p1 =	seq.s32 s10, $0x1;
	s10 =	sld [smem:$0x3FB9];
	_ =	sdelay $0x3  }
0x37: {  	[smem:$0x3FB9] =	sst s10  }
0x38: {  	s10 =	sld [smem:$0x3FBA]  }
0x39: {  	_ = 	snop;
	(pc) =	sbr.ind lr, $3  }
0x3a: {  	_ = 	snop  }
0x3b: {  	_ = 	snop  }
0x3c: {  	p2 =	seq.s32 s10, $0x1;
	s10 =	sld [smem:$0x3FB9]  }
0x3d: {  	_ =	shalt  }
0x3e: {  	_ =	shalt  }
0x3f: {  	_ =	shalt  }
0x40: {  	_ =	shalt  }
0x41: {  	_ =	shalt  }
0x42: {  	_ =	shalt  }
0x43: {  	_ =	shalt  }
0x44: {  	_ =	shalt  }
0x45: {  	_ =	shalt  }
0x46: {  	_ =	shalt  }
0x47: {  	_ =	shalt  }
0x48: {  	_ =	shalt  }
0x49: {  	_ =	shalt  }
0x4a: {  	_ =	shalt  }
0x4b: {  	_ =	shalt  }
0x4c: {  	_ =	shalt  }
0x4d: {  	_ =	shalt  }
0x4e: {  	_ =	shalt  }
0x4f: {  	_ =	shalt  }
0x50: {  	_ =	shalt  }
0x51: {  	_ =	shalt  }
0x52: {  	_ =	shalt  }
0x53: {  	_ =	shalt  }
0x54: {  	_ =	shalt  }
0x55: {  	_ =	shalt  }
0x56: {  	_ =	shalt  }
0x57: {  	_ =	shalt  }
0x58: {  	_ =	shalt  }
0x59: {  	_ =	shalt  }
0x5a: {  	_ =	shalt  }
0x5b: {  	_ =	shalt  }
0x5c: {  	_ =	shalt  }
0x5d: {  	_ =	shalt  }
0x5e: {  	_ =	shalt  }
0x5f: {  	_ =	shalt  }
0x60: {  	_ =	shalt  }
0x61: {  	_ =	shalt  }
0x62: {  	_ =	shalt  }
0x63: {  	_ =	shalt  }
0x64: {  	_ =	shalt  }
0x65: {  	_ =	shalt  }
0x66: {  	_ =	shalt  }
0x67: {  	_ =	shalt  }
0x68: {  	_ =	shalt  }
0x69: {  	_ =	shalt  }
0x6a: {  	_ =	shalt  }
0x6b: {  	_ =	shalt  }
0x6c: {  	_ =	shalt  }
0x6d: {  	_ =	shalt  }
0x6e: {  	_ =	shalt  }
0x6f: {  	_ =	shalt  }
0x70: {  	_ =	shalt  }
0x71: {  	_ =	shalt  }
0x72: {  	_ =	shalt  }
0x73: {  	_ =	shalt  }
0x74: {  	_ =	shalt  }
0x75: {  	_ =	shalt  }
0x76: {  	_ =	shalt  }
0x77: {  	_ =	shalt  }
0x78: {  	_ =	shalt  }
0x79: {  	_ =	shalt  }
0x7a: {  	_ =	shalt  }
0x7b: {  	_ =	shalt  }
0x7c: {  	_ =	shalt  }
0x7d: {  	_ =	shalt  }
0x7e: {  	_ =	shalt  }
0x7f: {  	_ =	shalt  }
0x80: {  	_ =	shalt  }
0x81: {  	_ =	shalt  }
0x82: {  	_ =	shalt  }
0x83: {  	_ =	shalt  }
0x84: {  	_ =	shalt  }
0x85: {  	_ =	shalt  }
0x86: {  	_ =	shalt  }
0x87: {  	_ =	shalt  }
.Lfunc_end0:
.L_simem_size_0:
called_computation_lowered:
.L_overlay_start_0:
0x88: {  	s2 =	sld [smem:$0x3FD9]  }
0x89: {  	s3 =	sld [smem:$0x3FFE];
	_ =	sdelay $0x1  }
0x8a: {  	s1 =	srdreg.scid  }
0x8b: {  	s0 =	sand.u32 $0x1, s1  }
0x8c: {  	s17 =	sshll.u32 s0, $0xA;
	s2 =	sadd.s32 s3, s2  }
0x8d: {  	s2 =	sadd.s32 s2, s17  }
0x8e: {  	[smem:$0x3FC5] =	sst s2  }
0x8f: {  	_ = 	snop  }
0x90: {  	s2 =	sld [smem:$0x3FC8]  }
0x91: {  	s18 =	sld [smem:$0x3FD0];
	(tm) =	ssettm $0x1  }
0x92: {  	s4 =	sld [smem:$0x3FFB];
	_ =	sdelay $0x3  }
0x93: {  	_ =	strace s4  }
0x94: {  	s4 =	sld [smem:$0x3FFC];
	_ =	sdelay $0x3  }
0x95: {  	_ =	strace s4  }
0x96: {  	s4 =	sld [smem:$0x3FFD];
	_ =	sdelay $0x3  }
0x97: {  	_ =	strace s4  }
0x98: {  	_ =	strace $0x8FFFFFFF  }
0x99: {  	s19 =	sld [smem:$0x3FDB];
	_ =	sdelay $0x1  }
0x9a: {  	s5 =	simm.s32 $_scs_section_size  }
0x9b: {  	s6 =	simm.s32 $_size__tile_overlayer_lowered;
	s7 =	simm.s32 $_tile_overlayer_lowered  }
0x9c: {  	s22 =	simm.s32 $0x1BFF;
	s21 =	sshll.u32 s7, $0x1;
	s4 =	sadd.s32 s5, s19  }
0x9d: {  	s8 =	simm.s32 $0x0;
	s20 =	sshll.u32 s6, $0x1;
	s6 =	sadd.s32 s21, s4  }
0x9e: {  	[timem:s8], [sflag:s22] =	dma.local [hbm:s6], s20  }
0x9f: {  	_ =	swait.ge [sflag:s22], s20  }
0xa0: {  	s5 =	ssub.s32 $0x0, s20;
	[sflag:s22] =	ssyncset.done $0x0  }
0xa1: {  	[sflag:s22] =	ssyncadd.s32 s5;
	_ =	sdelay $0x1  }
0xa2: {  	s23 =	simm.s32 $0x1B8B  }
0xa3: {  	_ =	swait.ge [sflag:s23], $0x1  }
0xa4: {  	[sflag:s23] =	ssyncset.done $0x0  }
0xa5: {  	s25 =	simm.s32 $0x1B8E;
	s24 =	sld [smem:$0x3FFE];
	[sflag:s23] =	ssyncadd.s32 $0xFFFFFFFF  }
0xa6: {  	s26 =	simm.s32 $execute0_lowered;
	[smem:$0x3FD2] =	sst s25  }
0xa7: {  	s6 =	sshll.u32 s26, $0x1;
	_ =	strace $0x80000046;
	[dreg:$0x1] =	wrdreg $0xFFFFFFFF  }
0xa8: {  	s28 =	simm.s32 $_size_execute0_lowered;
	s4 =	sadd.s32 s4, s6;
	[dreg:$0x0] =	wrdreg $0x0  }
0xa9: {  	s6 =	sshll.u32 s28, $0x1;
	[dreg:$0x2] =	wrdreg s4  }
0xaa: {  	[dreg:$0x3] =	wrdreg s6  }
0xab: {  	[dreg:$0x4] =	wrdreg $0xC0  }
0xac: {  	_ =	task [dreg:s8], $0x5FFFF  }
0xad: {  	[dreg:$0x1] =	wrdreg $0xFFFFFFFF  }
0xae: {  	[dreg:$0x0] =	wrdreg $0x60  }
0xaf: {  	[dreg:$0x2] =	wrdreg s2  }
0xb0: {  	[dreg:$0x3] =	wrdreg s24  }
0xb1: {  	[dreg:$0x4] =	wrdreg s18  }
0xb2: {  	[dreg:$0x5] =	wrdreg $0x104000  }
0xb3: {  	[dreg:$0x6] =	wrdreg $0x9  }
0xb4: {  	_ =	task.clear_ibuf [dreg:s8], $0x7FFFF;
	_ =	strace $0x90000046  }
0xb5: {  	s29 =	simm.s32 $0x9;
	_ =	strace $0x80000048  }
0xb6: {  	_ =	swait.ge [sflag:s29], $0x1  }
0xb7: {  	[sflag:s29] =	ssyncadd.s32 $0xFFFFFFFF  }
0xb8: {  	_ =	strace $0x90000048  }
0xb9: {  	_ =	sfence  }
0xba: {  	s30 =	sld [smem:$0x0];
	_ =	sdelay $0x2  }
0xbb: {  	s31 =	sshll.u32 s1, $0xD;
	s1 =	sshrl.u32 s1, $0x2  }
0xbc: {  	s3 =	sand.u32 $0x4000, s31;
	s1 =	sadd.s32 s1, s30  }
0xbd: {  	s0 =	sor.u32 s3, s0;
	s1 =	sshll.u32 s1, $0x11  }
0xbe: {  	s0 =	sor.u32 s1, s0  }
0xbf: {  	s0 =	sadd.s32 $0x8F2B, s0  }
0xc0: {  	[sflag:s0] =	ssyncadd.remote.s32 $0x1  }
0xc1: {  	_ =	sfence.sel $0xFFFF  }
0xc2: {  	[dreg:$0x0] =	wrdreg $0xFFFFFFFF;
	(pc) =	sbr.abs _section_cstart, $3  }
0xc3: {  	[dreg:$0x1] =	wrdreg $0xFFFFFFFF  }
0xc4: {  	_ =	task.clear_ibuf [dreg:s8], $0x2FFFF;
	_ =	strace $0x9FFFFFFF  }
0xc5: {  	(tm) =	ssettm $0x7FFFFFFF  }
tec
execute0_lowered:
.L_overlay_start_1:
0x0: {  	(tag) =	ssettag $0x1  }
0x1: {  	s0 =	rddreg [dreg:$0x0]  }
0x2: {  	s1 =	rddreg [dreg:$0x1]  }
0x3: {  	s4 =	rddreg [dreg:$0x2]  }
0x4: {  	s2 =	rddreg [dreg:$0x3]  }
0x5: {  	s3 =	srdreg.scid;
	s15 =	stileid.u32  }
0x6: {  	s17 =	simm.s32 $0x5;
	s18 =	simm.s32 $0x40;
	s20 =	simm.s32 $0x400  }
0x7: {  	s22 =	simm.s32 $0x2400;
	s23 =	simm.s32 $0x2;
	s29 =	simm.s32 $0x6400  }
0x8: {  	s31 =	simm.s32 $0x8400;
	s21 =	simm.s32 $0xC400;
	s28 =	simm.s32 $0xE400  }
0x9: {  	s30 =	simm.s32 $0x4;
	s5 =	sand.u32 $0x1, s3;
	s8 =	smul.u32 $0x7D000, s15  }
0xa: {  	s3 =	simm.s32 $0x0;
	s6 =	sshll.u32 s15, $0xA;
	s9 =	smul.u32 $0x3E80, s15  }
0xb: {  	p0 =	sgt.u32 s15, $0x4;
	s7 =	sshll.u32 s5, $0x9;
	[smem:$0x7FF] =	sst s3  }
0xc: {  	s5 =	ssub.s32 $0x2, s5;
	s6 =	sor.u32 s7, s6;
	_ =	strace $0x80000047  }
0xd: {  	s25 =	sshrl.u32 s5, $0x1;
	s8 =	sshrl.u32 s8, $0x2;
	s0 =	sadd.s32 s0, s9  }
0xe: {  	s7 =	sshrl.u32 s6, $0x3;
	s6 =	sshll.u32 s6, $0x4;
	s5 =	ssub.s32 s5, s25  }
0xf: {  	s16 =	sadd.s32 s8, s2;
	[dreg:$0x5] =	wrdreg s0;
	s0 =	sshll.u32 @!p0 s15, $0x6  }
0x10: {  	s25 =	simm.s32 $0x4400;
	s1 =	sadd.s32 s7, s1;
	s4 =	sadd.s32 s4, s6  }
0x11: {  	s14 =	smax.u32 s5, $0x1;
	s15 =	sor.u32 @!p0 $0x1C01, s0;
	s16 =	sshrl.u32 @!p0 s16, $0x3  }
0x12: {  	s0 =	simm.s32 $0x0;
	s26 =	sadd.s32 $0x600, s1;
	s7 =	sadd.s32 $0x400, s4  }
0x13: {  	s8 =	sadd.s32 $0x800, s4;
	s9 =	sadd.s32 $0xC00, s4;
	s10 =	sadd.s32 $0x1000, s4  }
0x14: {  	s11 =	sadd.s32 $0x1400, s4;
	s12 =	sadd.s32 $0x1800, s4;
	s13 =	sadd.s32 $0x1C00, s4  }
0x15: {  	s1 =	simm.s32 $0xA400;
	[dreg:$0x6] =	wrdreg s26;
	s26 =	simm.s32 $0x3  }
.LBB2_1:
0x16: {  	s5 =	rddreg [dreg:$0x5]  }
0x17: {  	[spmem:s16], [sflag:s15] =	dma.local @!p0 [hbm:s5], $0x3E80  }
0x18: {  	s5 =	rddreg [dreg:$0x6]  }
0x19: {  	[tilespmem:s3], [sflag:$0x5] =	stream.linear.gather [hbm4b:s5+s3], $0x200, $0x38;
	[tilespmem:$0x1A040] =	vst v63  }
0x1a: {  	_ =	swait.ge [sflag:s17], $0x200  }
0x1b: {  	[sflag:s17] =	ssyncset.done $0x0  }
0x1c: {  	s19 =	simm.s32 $0x0;
	[sflag:s17] =	ssyncadd.s32 $0xFFFFFE00  }
0x1d: {  	v0 =	vld [tilespmem:s19+$0x0];
	_ =	sdelay $0x4  }
0x1e: {  	v0 =	vmul.f32 $1.000000000e+03, v0;
	_ =	sdelay $0x1  }
0x1f: {  	s24 =	simm.s32 $0x10;
	v0 =	vtrunc.f32 v0  }
0x20: {  	v1 =	vcvt.f32.s32 v0;
	v0 =	vld [tilespmem:s24+$0x0];
	_ =	sdelay $0x3  }
0x21: {  	s5 =	simm.s32 $0x80;
	vm0 =	vgt.s32 v1, $0x0  }
.LBB2_2:
0x22: {  	s6 =	sshra.s32 s5, $0x2;
	p1 =	sne.s32 s5, $0x7C0;
	s5 =	sadd.s32 $0x40, s5;
	v2 =	vmul.f32 $1.000000000e+03, v0;
	v1 =	vnsel vm0, $0x0, v1  }
.Ltmp0:
0x23: {  	v0 =	vld [tilespmem:s6+$0x0];
	v1 =	vmin.u32 v1, $0x1387;
	(pc) =	sbr.rel @p1 .LBB2_2-.Ltmp0, $3  }
0x24: {  	v2 =	vtrunc.f32 v2;
	[tilespmem:s19+$0x200] =	vst v1;
	s19 =	smov.u32 s24;
	s24 =	smov.u32 s6  }
0x25: {  	v1 =	vcvt.f32.s32 v2;
	_ =	sdelay $0x1  }
0x26: {  	vm0 =	vgt.s32 v1, $0x0  }
0x27: {  	v0 =	vmul.f32 $1.000000000e+03, v0;
	_ =	sdelay $0x1  }
0x28: {  	v0 =	vtrunc.f32 v0  }
0x29: {  	v0 =	vcvt.f32.s32 v0;
	_ =	sdelay $0x1  }
0x2a: {  	v1 =	vnsel vm0, $0x0, v1;
	vm15 =	vgt.s32 v0, $0x0  }
0x2b: {  	v1 =	vmin.u32 v1, $0x1387;
	v0 =	vnsel vm15, $0x0, v0  }
0x2c: {  	[tilespmem:s19+$0x200] =	vst v1;
	v0 =	vmin.u32 v0, $0x1387  }
0x2d: {  	s5 =	simm.s32 @!p0 $0x1;
	[tilespmem:s24+$0x200] =	vst v0  }
0x2e: {  	_ =	swait.ge @!p0 [sflag:s5], $0x3E80  }
0x2f: {  	[sflag:s5] =	ssyncset.done @!p0 $0x0  }
0x30: {  	[sflag:s5] =	ssyncadd.s32 @!p0 $0xFFFFC180  }
0x31: {  	s19 =	simm.s32 $0x200;
	[bflag:$0x0] =	sbarrier.arrive $0xFFFF  }
0x32: {  	[tilespmem:s20], [sflag:$0x2] =	stream.indirect.gather [spmem:s2], $0x80, s19, s18, $0xb8;
	[tilespmem:$0x1A040] =	vst v63  }
0x33: {  	s24 =	simm.s32 $0x240  }
0x34: {  	[tilespmem:s22], [sflag:$0x3] =	stream.indirect.gather [spmem:s2], $0x80, s24, s18, $0xb8;
	[tilespmem:$0x1A040] =	vst v63  }
0x35: {  	_ =	swait.ge [sflag:s23], $0x2000  }
0x36: {  	[sflag:s23] =	ssyncset.done $0x0  }
0x37: {  	[sflag:s23] =	ssyncadd.s32 $0xFFFFE000  }
0x38: {  	[hbm4b:s4+s3] =	stream.linear.scatter [tilespmem:s20], [sflag:$0x4], $0x2000, $0x38;
	[tilespmem:$0x1A040] =	vst v63  }
0x39: {  	s6 =	simm.s32 $0x280  }
0x3a: {  	[tilespmem:s25], [sflag:$0x2] =	stream.indirect.gather [spmem:s2], $0x80, s6, s18, $0xb8;
	[tilespmem:$0x1A040] =	vst v63  }
0x3b: {  	_ =	swait.ge [sflag:s26], $0x2000  }
0x3c: {  	[sflag:s26] =	ssyncset.done $0x0  }
0x3d: {  	[sflag:s26] =	ssyncadd.s32 $0xFFFFE000  }
0x3e: {  	[hbm4b:s7+s3] =	stream.linear.scatter [tilespmem:s22], [sflag:$0x4], $0x2000, $0x38;
	[tilespmem:$0x1A040] =	vst v63  }
0x3f: {  	s19 =	simm.s32 $0x2C0  }
0x40: {  	[tilespmem:s29], [sflag:$0x3] =	stream.indirect.gather [spmem:s2], $0x80, s19, s18, $0xb8;
	[tilespmem:$0x1A040] =	vst v63  }
0x41: {  	_ =	swait.ge [sflag:s23], $0x2000  }
0x42: {  	[sflag:s23] =	ssyncset.done $0x0  }
0x43: {  	[sflag:s23] =	ssyncadd.s32 $0xFFFFE000  }
0x44: {  	[hbm4b:s8+s3] =	stream.linear.scatter [tilespmem:s25], [sflag:$0x4], $0x2000, $0x38;
	[tilespmem:$0x1A040] =	vst v63  }
0x45: {  	s24 =	simm.s32 $0x300  }
0x46: {  	[tilespmem:s31], [sflag:$0x2] =	stream.indirect.gather [spmem:s2], $0x80, s24, s18, $0xb8;
	[tilespmem:$0x1A040] =	vst v63  }
0x47: {  	_ =	swait.ge [sflag:s26], $0x2000  }
0x48: {  	[sflag:s26] =	ssyncset.done $0x0  }
0x49: {  	[sflag:s26] =	ssyncadd.s32 $0xFFFFE000  }
0x4a: {  	[hbm4b:s9+s3] =	stream.linear.scatter [tilespmem:s29], [sflag:$0x4], $0x2000, $0x38;
	[tilespmem:$0x1A040] =	vst v63  }
0x4b: {  	s6 =	simm.s32 $0x340  }
0x4c: {  	[tilespmem:s1], [sflag:$0x3] =	stream.indirect.gather [spmem:s2], $0x80, s6, s18, $0xb8;
	[tilespmem:$0x1A040] =	vst v63  }
0x4d: {  	_ =	swait.ge [sflag:s23], $0x2000  }
0x4e: {  	[sflag:s23] =	ssyncset.done $0x0  }
0x4f: {  	[sflag:s23] =	ssyncadd.s32 $0xFFFFE000  }
0x50: {  	[hbm4b:s10+s3] =	stream.linear.scatter [tilespmem:s31], [sflag:$0x4], $0x2000, $0x38;
	[tilespmem:$0x1A040] =	vst v63  }
0x51: {  	s19 =	simm.s32 $0x380  }
0x52: {  	[tilespmem:s21], [sflag:$0x2] =	stream.indirect.gather [spmem:s2], $0x80, s19, s18, $0xb8;
	[tilespmem:$0x1A040] =	vst v63  }
0x53: {  	_ =	swait.ge [sflag:s26], $0x2000  }
0x54: {  	[sflag:s26] =	ssyncset.done $0x0  }
0x55: {  	[sflag:s26] =	ssyncadd.s32 $0xFFFFE000  }
0x56: {  	[hbm4b:s11+s3] =	stream.linear.scatter [tilespmem:s1], [sflag:$0x4], $0x2000, $0x38;
	[tilespmem:$0x1A040] =	vst v63  }
0x57: {  	s24 =	simm.s32 $0x3C0  }
0x58: {  	[tilespmem:s28], [sflag:$0x3] =	stream.indirect.gather [spmem:s2], $0x80, s24, s18, $0xb8;
	[tilespmem:$0x1A040] =	vst v63  }
0x59: {  	_ =	swait.ge [sflag:s23], $0x2000  }
0x5a: {  	[sflag:s23] =	ssyncset.done $0x0  }
0x5b: {  	[sflag:s23] =	ssyncadd.s32 $0xFFFFE000  }
0x5c: {  	[hbm4b:s12+s3] =	stream.linear.scatter [tilespmem:s21], [sflag:$0x4], $0x2000, $0x38;
	[tilespmem:$0x1A040] =	vst v63  }
0x5d: {  	_ =	swait.ge [sflag:s26], $0x2000  }
0x5e: {  	[sflag:s26] =	ssyncset.done $0x0  }
0x5f: {  	[sflag:s26] =	ssyncadd.s32 $0xFFFFE000  }
0x60: {  	[hbm4b:s13+s3] =	stream.linear.scatter [tilespmem:s28], [sflag:$0x4], $0x2000, $0x38;
	[tilespmem:$0x1A040] =	vst v63  }
0x61: {  	_ =	swait.ge [sflag:s30], $0x2000  }
0x62: {  	[sflag:s30] =	ssyncset.done $0x0  }
0x63: {  	[sflag:s30] =	ssyncadd.s32 $0xFFFFE000  }
0x64: {  	_ =	swait.ge [sflag:s30], $0x2000  }
0x65: {  	[sflag:s30] =	ssyncset.done $0x0  }
0x66: {  	[sflag:s30] =	ssyncadd.s32 $0xFFFFE000  }
0x67: {  	_ =	swait.ge [sflag:s30], $0x2000  }
0x68: {  	[sflag:s30] =	ssyncset.done $0x0  }
0x69: {  	[sflag:s30] =	ssyncadd.s32 $0xFFFFE000  }
0x6a: {  	_ =	swait.ge [sflag:s30], $0x2000  }
0x6b: {  	[sflag:s30] =	ssyncset.done $0x0  }
0x6c: {  	[sflag:s30] =	ssyncadd.s32 $0xFFFFE000  }
0x6d: {  	_ =	swait.ge [sflag:s30], $0x2000  }
0x6e: {  	[sflag:s30] =	ssyncset.done $0x0  }
0x6f: {  	[sflag:s30] =	ssyncadd.s32 $0xFFFFE000  }
0x70: {  	_ =	swait.ge [sflag:s30], $0x2000  }
0x71: {  	[sflag:s30] =	ssyncset.done $0x0  }
0x72: {  	s0 =	sadd.s32 $0x1, s0;
	[sflag:s30] =	ssyncadd.s32 $0xFFFFE000  }
0x73: {  	p1 =	sne.s32 s0, s14;
	_ =	swait.ge [sflag:s30], $0x2000  }
.Ltmp1:
0x74: {  	[sflag:s30] =	ssyncset.done $0x0;
	(pc) =	sbr.rel @p1 .LBB2_1-.Ltmp1, $4  }
0x75: {  	[sflag:s30] =	ssyncadd.s32 $0xFFFFE000  }
0x76: {  	_ =	swait.ge [sflag:s30], $0x2000  }
0x77: {  	[sflag:s30] =	ssyncset.done $0x0  }
0x78: {  	[sflag:s30] =	ssyncadd.s32 $0xFFFFE000  }
0x79: {  	_ =	sfence.sel $0x180000  }
0x7a: {  	[bflag:$0x0] =	sbarrier.arrive $0xFFFF  }
0x7b: {  	_ =	strace $0x90000047  }
0x7c: {  	s0 =	stileid.u32;
	[bflag:$0x2] =	sbarrier.arrive $0xFFFF  }
0x7d: {  	p0 =	sne.s32 s0, $0x0;
	s0 =	rddreg [dreg:$0x4]  }
0x7e: {  	s0 =	sadd.s32 @!p0 $0x100000, s0  }
0x7f: {  	[sflag:s0] =	ssyncadd.tile.s32 @!p0 $0x1;
	_ =	shalt  }
.Lfunc_end2:
_tile_overlayer_lowered:
.L_overlay_start_2:
0x80: {  	(tag) =	ssettag $0x2  }
0x81: {  	s0 =	rddreg [dreg:$0x0];
	s2 =	stileid.u32  }
0x82: {  	s1 =	rddreg [dreg:$0x1];
	p0 =	sne.s32 s2, $0x0  }
0x83: {  	s3 =	rddreg [dreg:$0x2];
	[bflag:$0x3] =	sbarrier.arrive $0xFFFF;
	s2 =	simm.s32 @!p0 $0x1C05  }
0x84: {  	[timem:s3], [sflag:s2] =	dma.local @!p0 [hbm:s0], s1  }
0x85: {  	s0 =	simm.s32 @!p0 $0x5  }
0x86: {  	_ =	swait.ge @!p0 [sflag:s0], s1  }
0x87: {  	s1 =	ssub.s32 @!p0 $0x0, s1;
	[sflag:s0] =	ssyncset.done @!p0 $0x0  }
0x88: {  	[sflag:s0] =	ssyncadd.s32 @!p0 s1  }
0x89: {  	[bflag:$0x3] =	sbarrier.arrive $0xFFFF  }
0x8a: {  	_ =	shalt  }

</sc_bundles>
